<compile_context>
chip_gen: v7x
topology: tpu7x:2x2x1
jax: 0.10.2.dev20260603
libtpu: 0.0.44.dev20260713+nightly
codegen_flags: <defaults>
</compile_context>

<pallas_src>
import jax
import jax.numpy as jnp
from jax import lax
from jax.experimental import pallas as pl
from jax.experimental.pallas import tpu as pltpu
from jax.experimental.pallas import tpu_sc as plsc

N_NODES = 100000
N_EDGES = 6400000
NC = 2
NS = 16
NW = NC * NS
EPT = N_EDGES // NW
BLK = 10000
NB = EPT // BLK
NPAD = 102400
ZB = NPAD // NS


def _sc_body(x_hbm, ptrs_hbm, csr_hbm, out_hbm,
             xs, acc,
             ptr0, ptr1, csr0, csr1, val0, val1, zb,
             lds0, lds1, gsm0, gsm1):
    c = lax.axis_index("c")
    s = lax.axis_index("s")
    ptr_v = (ptr0, ptr1)
    csr_v = (csr0, csr1)
    val_v = (val0, val1)
    lds = (lds0, lds1)
    gsm = (gsm0, gsm1)

    def zfill(j, carry):
        zb[pl.ds(j * 16, 16)] = jnp.zeros((16,), jnp.float32)
        return carry
    lax.fori_loop(0, ZB // 16, zfill, 0)
    pltpu.sync_copy(zb, acc.at[pl.ds(s * ZB, ZB)])

    @pl.when(s == 0)
    def _():
        pltpu.sync_copy(x_hbm, xs)

    plsc.subcore_barrier()

    base = (c * NS + s) * EPT

    def issue_loads(b, par):
        off = base + b * BLK
        pltpu.async_copy(ptrs_hbm.at[pl.ds(off, BLK)], ptr_v[par], lds[par])
        pltpu.async_copy(csr_hbm.at[pl.ds(off, BLK)], csr_v[par], lds[par])

    def wait_loads(b, par):
        off = base + b * BLK
        pltpu.make_async_copy(
            ptrs_hbm.at[pl.ds(off, BLK)], ptr_v[par], lds[par]).wait()
        pltpu.make_async_copy(
            csr_hbm.at[pl.ds(off, BLK)], csr_v[par], lds[par]).wait()

    issue_loads(0, 0)
    issue_loads(1, 1)
    wait_loads(0, 0)
    pltpu.async_copy(xs.at[ptr_v[0]], val_v[0], gsm[0])

    def step(b, par):
        nxt = 1 - par
        pltpu.make_async_copy(xs.at[ptr_v[par]], val_v[par], gsm[par]).wait()
        @pl.when(b + 1 < NB)
        def _():
            wait_loads(b + 1, nxt)
            pltpu.async_copy(xs.at[ptr_v[nxt]], val_v[nxt], gsm[nxt])
        pltpu.sync_copy(val_v[par], acc.at[csr_v[par]], add=True)
        @pl.when(b + 2 < NB)
        def _():
            issue_loads(b + 2, par)

    def pair(g, carry):
        step(2 * g, 0)
        step(2 * g + 1, 1)
        return carry
    lax.fori_loop(0, NB // 2, pair, 0)

    plsc.subcore_barrier()

    pltpu.sync_copy(acc.at[pl.ds(s * ZB, ZB)],
                    out_hbm.at[c, pl.ds(s * ZB, ZB)])


@jax.jit
def _sc_scatter(x, ptrs, csr):
    mesh = plsc.VectorSubcoreMesh(core_axis_name="c", subcore_axis_name="s")
    f = pl.kernel(
        _sc_body, mesh=mesh,
        out_type=jax.ShapeDtypeStruct((NC, NPAD), jnp.float32),
        scratch_types=[
            pltpu.MemorySpace.VMEM_SHARED((N_NODES,), jnp.float32),
            pltpu.MemorySpace.VMEM_SHARED((NPAD,), jnp.float32),
            pltpu.VMEM((BLK,), jnp.int32),
            pltpu.VMEM((BLK,), jnp.int32),
            pltpu.VMEM((BLK,), jnp.int32),
            pltpu.VMEM((BLK,), jnp.int32),
            pltpu.VMEM((BLK,), jnp.float32),
            pltpu.VMEM((BLK,), jnp.float32),
            pltpu.VMEM((ZB,), jnp.float32),
            pltpu.SemaphoreType.DMA,
            pltpu.SemaphoreType.DMA,
            pltpu.SemaphoreType.DMA,
            pltpu.SemaphoreType.DMA,
        ],
    )
    return f(x, ptrs, csr)


def _combine_body(p_ref, o_ref):
    o_ref[...] = p_ref[0] + p_ref[1]


@jax.jit
def _combine(partials):
    p = partials.reshape(NC, NPAD // 128, 128)
    out = pl.pallas_call(
        _combine_body,
        out_shape=jax.ShapeDtypeStruct((NPAD // 128, 128), jnp.float32),
    )(p)
    return out.reshape(-1)[:N_NODES]


def kernel(x, ptrs, csr):
    partials = _sc_scatter(x, ptrs, csr)
    return _combine(partials)

# --- scband reference (transcript-rebuilt; emitter-appended) ---
"""Pipeline reference for scband-product-layer-6047313953254 (READ-ONLY COPY).

The authoritative reference and input builder live on the scoring server;
editing this copy changes nothing except your own understanding.
"""

import jax, jax.numpy as jnp
import numpy as np

N_NODES = 100000
N_EDGES = 6400000


def setup_inputs(seed: int = 0) -> dict:
    key = jax.random.key(seed)
    k1, k2, k3 = jax.random.split(key, 3)
    # x: the dense 1-D input signal the layer gathers from
    x = jax.random.normal(k1, (N_NODES,), dtype=jnp.float32)
    # ptrs: gather indices into x (buffer in the torch module)
    ptrs = jax.random.randint(k2, (N_EDGES,), 0, N_NODES, dtype=jnp.int32)
    # csr: sorted segment ids (buffer in the torch module); force last id so
    # output length csr[-1]+1 == N_NODES deterministically
    csr = jnp.sort(jax.random.randint(k3, (N_EDGES,), 0, N_NODES, dtype=jnp.int32))
    csr = csr.at[-1].set(N_NODES - 1)
    return {"x": x, "ptrs": ptrs, "csr": csr}


def reference(x, ptrs, csr):
    # torch: output = zeros(csr[-1]+1); output.scatter_add_(0, csr, x[ptrs])
    num_out = x.shape[0]
    gathered = x[ptrs]                                  # gather
    output = jnp.zeros((num_out,), dtype=x.dtype)
    output = output.at[csr].add(gathered)               # scatter-add (segment sum)
    return output

if __name__ == "__main__":
    import jax
    _d = setup_inputs()
    print(jax.jit(kernel)(*tuple(_d.values())))

</pallas_src>

<mosaic_0001>
#map = affine_map<(d0, d1) -> (0)>
#map1 = affine_map<(d0, d1) -> (0, 0)>
module attributes {stable_mosaic.version = 14 : i64} {
  func.func @_sc_body(%arg0: i32, %arg1: i32, %arg2: memref<100000xf32, #tpu.memory_space<hbm>>, %arg3: memref<6400000xi32, #tpu.memory_space<hbm>>, %arg4: memref<6400000xi32, #tpu.memory_space<hbm>>, %arg5: memref<2x102400xf32, #tpu.memory_space<hbm>>, %arg6: memref<100000xf32, #tpu.memory_space<vmem_shared>>, %arg7: memref<102400xf32, #tpu.memory_space<vmem_shared>>, %arg8: memref<10000xi32, #tpu.memory_space<vmem>>, %arg9: memref<10000xi32, #tpu.memory_space<vmem>>, %arg10: memref<10000xi32, #tpu.memory_space<vmem>>, %arg11: memref<10000xi32, #tpu.memory_space<vmem>>, %arg12: memref<10000xf32, #tpu.memory_space<vmem>>, %arg13: memref<10000xf32, #tpu.memory_space<vmem>>, %arg14: memref<6400xf32, #tpu.memory_space<vmem>>, %arg15: memref<!tpu.dma_semaphore, #tpu.memory_space<semaphore_mem>>, %arg16: memref<!tpu.dma_semaphore, #tpu.memory_space<semaphore_mem>>, %arg17: memref<!tpu.dma_semaphore, #tpu.memory_space<semaphore_mem>>, %arg18: memref<!tpu.dma_semaphore, #tpu.memory_space<semaphore_mem>>) attributes {dimension_semantics = [#tpu.dimension_semantics<core_parallel>, #tpu.dimension_semantics<subcore_parallel>], iteration_bounds = array<i64: 2, 16>, scalar_prefetch = 0 : i64, scratch_operands = 13 : i64, tpu.core_type = #tpu.core_type<sc_vector_subcore>, window_params = [{transform_indices = #map}, {transform_indices = #map}, {transform_indices = #map}, {transform_indices = #map1}]} {
    %scan3A = arith.constant 0 : i32
    %scan3A_0 = arith.constant 0 : i32
    %scan3A_1 = arith.constant 400 : i32
    %scan3A_2 = arith.addi %scan3A_0, %scan3A_1 : i32
    %scan3A_3 = arith.constant 1 : i32
    scf.for %scan3A_41 = %scan3A_0 to %scan3A_2 step %scan3A_3  : i32 {
      %broadcast_in_dim3A = arith.constant 0.000000e+00 : f32
      %broadcast_in_dim3A_42 = vector.broadcast %broadcast_in_dim3A : f32 to vector<16xf32>
      %mul3A_43 = arith.constant 16 : i32
      %mul3A_44 = arith.muli %scan3A_41, %mul3A_43 : i32
      %swap3A = arith.index_cast %mul3A_44 : i32 to index
      %swap3A_45 = tpu.vector_load %arg14[%swap3A] {strides = array<i32>} : memref<6400xf32, #tpu.memory_space<vmem>>, vector<16xf32>,
      %swap3A_46 = vector.shape_cast %swap3A_45 : vector<16xf32> to vector<16xf32>
      %swap3A_47 = vector.shape_cast %broadcast_in_dim3A_42 : vector<16xf32> to vector<16xf32>
      tpu.vector_store %arg14[%swap3A], %swap3A_47 {strides = array<i32>} : memref<6400xf32, #tpu.memory_space<vmem>>, vector<16xf32>,
    }
    %scan3A_4 = arith.constant 400 : i32
    %mul3A = arith.constant 6400 : i32
    %mul3A_5 = arith.muli %arg1, %mul3A : i32
    "tpu.region"() ({
      %run_scoped3A = tpu.sem_alloc : memref<!tpu.dma_semaphore, #tpu.memory_space<semaphore_mem>>
      %dma_start3A_41 = tpu.memref_slice %arg7[%mul3A_5] : memref<102400xf32, #tpu.memory_space<vmem_shared>> -> memref<6400xf32, #tpu.memory_space<vmem_shared>>
      %dma_start3A_42 = tpu.memref_slice %arg7[%mul3A_5] : memref<102400xf32, #tpu.memory_space<vmem_shared>> -> memref<6400xf32, #tpu.memory_space<vmem_shared>>
      tpu.enqueue_dma source(%arg14 : memref<6400xf32, #tpu.memory_space<vmem>>) target(%dma_start3A_42 : memref<6400xf32, #tpu.memory_space<vmem_shared>>) target_semaphore(%run_scoped3A : memref<!tpu.dma_semaphore, #tpu.memory_space<semaphore_mem>>)
      %dma_wait3A_43 = tpu.memref_slice %arg7[%mul3A_5] : memref<102400xf32, #tpu.memory_space<vmem_shared>> -> memref<6400xf32, #tpu.memory_space<vmem_shared>>
      %dma_wait3A_44 = tpu.memref_slice %arg7[%mul3A_5] : memref<102400xf32, #tpu.memory_space<vmem_shared>> -> memref<6400xf32, #tpu.memory_space<vmem_shared>>
      tpu.wait_dma2 semaphore(%run_scoped3A : memref<!tpu.dma_semaphore, #tpu.memory_space<semaphore_mem>>) src(%arg14 : memref<6400xf32, #tpu.memory_space<vmem>>) dst(%dma_wait3A_44 : memref<6400xf32, #tpu.memory_space<vmem_shared>>)
      tpu.yield
    }) : () -> ()
    %eq3A = arith.constant 0 : i32
    %eq3A_6 = arith.cmpi eq, %arg1, %eq3A : i32
    %convert_element_type3A = arith.extui %eq3A_6 : i1 to i32
    %cond3A = arith.constant 0 : i32
    %cond3A_7 = arith.cmpi ne, %convert_element_type3A, %cond3A : i32
    scf.if %cond3A_7 {
      "tpu.region"() ({
        %run_scoped3A = tpu.sem_alloc : memref<!tpu.dma_semaphore, #tpu.memory_space<semaphore_mem>>
        tpu.enqueue_dma source(%arg2 : memref<100000xf32, #tpu.memory_space<hbm>>) target(%arg6 : memref<100000xf32, #tpu.memory_space<vmem_shared>>) target_semaphore(%run_scoped3A : memref<!tpu.dma_semaphore, #tpu.memory_space<semaphore_mem>>)
        tpu.wait_dma2 semaphore(%run_scoped3A : memref<!tpu.dma_semaphore, #tpu.memory_space<semaphore_mem>>) src(%arg2 : memref<100000xf32, #tpu.memory_space<hbm>>) dst(%arg6 : memref<100000xf32, #tpu.memory_space<vmem_shared>>)
        tpu.yield
      }) : () -> ()
    } else {
    }
    %barrier3A = arith.constant 0 : index
    tpu.barrier barrier_id(%barrier3A)
    %mul3A_8 = arith.constant 16 : i32
    %mul3A_9 = arith.muli %arg0, %mul3A_8 : i32
    %add3A = arith.addi %mul3A_9, %arg1 : i32
    %mul3A_10 = arith.constant 200000 : i32
    %mul3A_11 = arith.muli %add3A, %mul3A_10 : i32
    %add3A_12 = arith.constant 0 : i32
    %add3A_13 = arith.addi %mul3A_11, %add3A_12 : i32
    %dma_start3A = tpu.memref_slice %arg3[%add3A_13] : memref<6400000xi32, #tpu.memory_space<hbm>> -> memref<10000xi32, #tpu.memory_space<hbm>>
    %dma_start3A_14 = tpu.memref_slice %arg3[%add3A_13] : memref<6400000xi32, #tpu.memory_space<hbm>> -> memref<10000xi32, #tpu.memory_space<hbm>>
    tpu.enqueue_dma source(%dma_start3A_14 : memref<10000xi32, #tpu.memory_space<hbm>>) target(%arg8 : memref<10000xi32, #tpu.memory_space<vmem>>) target_semaphore(%arg15 : memref<!tpu.dma_semaphore, #tpu.memory_space<semaphore_mem>>)
    %dma_start3A_15 = tpu.memref_slice %arg4[%add3A_13] : memref<6400000xi32, #tpu.memory_space<hbm>> -> memref<10000xi32, #tpu.memory_space<hbm>>
    %dma_start3A_16 = tpu.memref_slice %arg4[%add3A_13] : memref<6400000xi32, #tpu.memory_space<hbm>> -> memref<10000xi32, #tpu.memory_space<hbm>>
    tpu.enqueue_dma source(%dma_start3A_16 : memref<10000xi32, #tpu.memory_space<hbm>>) target(%arg10 : memref<10000xi32, #tpu.memory_space<vmem>>) target_semaphore(%arg15 : memref<!tpu.dma_semaphore, #tpu.memory_space<semaphore_mem>>)
    %add3A_17 = arith.constant 10000 : i32
    %add3A_18 = arith.addi %mul3A_11, %add3A_17 : i32
    %dma_start3A_19 = tpu.memref_slice %arg3[%add3A_18] : memref<6400000xi32, #tpu.memory_space<hbm>> -> memref<10000xi32, #tpu.memory_space<hbm>>
    %dma_start3A_20 = tpu.memref_slice %arg3[%add3A_18] : memref<6400000xi32, #tpu.memory_space<hbm>> -> memref<10000xi32, #tpu.memory_space<hbm>>
    tpu.enqueue_dma source(%dma_start3A_20 : memref<10000xi32, #tpu.memory_space<hbm>>) target(%arg9 : memref<10000xi32, #tpu.memory_space<vmem>>) target_semaphore(%arg16 : memref<!tpu.dma_semaphore, #tpu.memory_space<semaphore_mem>>)
    %dma_start3A_21 = tpu.memref_slice %arg4[%add3A_18] : memref<6400000xi32, #tpu.memory_space<hbm>> -> memref<10000xi32, #tpu.memory_space<hbm>>
    %dma_start3A_22 = tpu.memref_slice %arg4[%add3A_18] : memref<6400000xi32, #tpu.memory_space<hbm>> -> memref<10000xi32, #tpu.memory_space<hbm>>
    tpu.enqueue_dma source(%dma_start3A_22 : memref<10000xi32, #tpu.memory_space<hbm>>) target(%arg11 : memref<10000xi32, #tpu.memory_space<vmem>>) target_semaphore(%arg16 : memref<!tpu.dma_semaphore, #tpu.memory_space<semaphore_mem>>)
    %add3A_23 = arith.constant 0 : i32
    %add3A_24 = arith.addi %mul3A_11, %add3A_23 : i32
    %dma_wait3A = tpu.memref_slice %arg3[%add3A_24] : memref<6400000xi32, #tpu.memory_space<hbm>> -> memref<10000xi32, #tpu.memory_space<hbm>>
    %dma_wait3A_25 = tpu.memref_slice %arg3[%add3A_24] : memref<6400000xi32, #tpu.memory_space<hbm>> -> memref<10000xi32, #tpu.memory_space<hbm>>
    tpu.wait_dma2 semaphore(%arg15 : memref<!tpu.dma_semaphore, #tpu.memory_space<semaphore_mem>>) src(%dma_wait3A_25 : memref<10000xi32, #tpu.memory_space<hbm>>) dst(%arg8 : memref<10000xi32, #tpu.memory_space<vmem>>)
    %dma_wait3A_26 = tpu.memref_slice %arg4[%add3A_24] : memref<6400000xi32, #tpu.memory_space<hbm>> -> memref<10000xi32, #tpu.memory_space<hbm>>
    %dma_wait3A_27 = tpu.memref_slice %arg4[%add3A_24] : memref<6400000xi32, #tpu.memory_space<hbm>> -> memref<10000xi32, #tpu.memory_space<hbm>>
    tpu.wait_dma2 semaphore(%arg15 : memref<!tpu.dma_semaphore, #tpu.memory_space<semaphore_mem>>) src(%dma_wait3A_27 : memref<10000xi32, #tpu.memory_space<hbm>>) dst(%arg10 : memref<10000xi32, #tpu.memory_space<vmem>>)
    %dma_start3A_28 = arith.constant 0 : i32
    %dma_start3A_29 = tpu.memref_slice %arg6[%dma_start3A_28] : memref<100000xf32, #tpu.memory_space<vmem_shared>> -> memref<100000xf32, #tpu.memory_space<vmem_shared>>
    tpu.enqueue_indirect_dma source(%dma_start3A_29 : memref<100000xf32, #tpu.memory_space<vmem_shared>>) target(%arg12 : memref<10000xf32, #tpu.memory_space<vmem>>) offsets(%arg8 : memref<10000xi32, #tpu.memory_space<vmem>>) semaphore(%arg17 : memref<!tpu.dma_semaphore, #tpu.memory_space<semaphore_mem>>)
    %scan3A_30 = arith.constant 0 : i32
    %scan3A_31 = arith.constant 0 : i32
    %scan3A_32 = arith.constant 10 : i32
    %scan3A_33 = arith.addi %scan3A_31, %scan3A_32 : i32
    %scan3A_34 = arith.constant 1 : i32
    scf.for %scan3A_41 = %scan3A_31 to %scan3A_33 step %scan3A_34  : i32 {
      %mul3A_42 = arith.constant 2 : i32
      %mul3A_43 = arith.muli %mul3A_42, %scan3A_41 : i32
      %dma_wait3A_44 = arith.constant 0 : i32
      %dma_wait3A_45 = tpu.memref_slice %arg6[%dma_wait3A_44] : memref<100000xf32, #tpu.memory_space<vmem_shared>> -> memref<100000xf32, #tpu.memory_space<vmem_shared>>
      tpu.wait_indirect_dma semaphore(%arg17 : memref<!tpu.dma_semaphore, #tpu.memory_space<semaphore_mem>>) src(%dma_wait3A_45 : memref<100000xf32, #tpu.memory_space<vmem_shared>>) dst(%arg12 : memref<10000xf32, #tpu.memory_space<vmem>>)
      %add3A_46 = arith.constant 1 : i32
      %add3A_47 = arith.addi %mul3A_43, %add3A_46 : i32
      %lt3A = arith.constant 20 : i32
      %lt3A_48 = arith.cmpi slt, %add3A_47, %lt3A : i32
      %convert_element_type3A_49 = arith.extui %lt3A_48 : i1 to i32
      %cond3A_50 = arith.constant 0 : i32
      %cond3A_51 = arith.cmpi ne, %convert_element_type3A_49, %cond3A_50 : i32
      scf.if %cond3A_51 {
        %add3A_79 = arith.constant 1 : i32
        %add3A_80 = arith.addi %mul3A_43, %add3A_79 : i32
        %mul3A_81 = arith.constant 10000 : i32
        %mul3A_82 = arith.muli %add3A_80, %mul3A_81 : i32
        %add3A_83 = arith.addi %mul3A_11, %mul3A_82 : i32
        %dma_wait3A_84 = tpu.memref_slice %arg3[%add3A_83] : memref<6400000xi32, #tpu.memory_space<hbm>> -> memref<10000xi32, #tpu.memory_space<hbm>>
        %dma_wait3A_85 = tpu.memref_slice %arg3[%add3A_83] : memref<6400000xi32, #tpu.memory_space<hbm>> -> memref<10000xi32, #tpu.memory_space<hbm>>
        tpu.wait_dma2 semaphore(%arg16 : memref<!tpu.dma_semaphore, #tpu.memory_space<semaphore_mem>>) src(%dma_wait3A_85 : memref<10000xi32, #tpu.memory_space<hbm>>) dst(%arg9 : memref<10000xi32, #tpu.memory_space<vmem>>)
        %dma_wait3A_86 = tpu.memref_slice %arg4[%add3A_83] : memref<6400000xi32, #tpu.memory_space<hbm>> -> memref<10000xi32, #tpu.memory_space<hbm>>
        %dma_wait3A_87 = tpu.memref_slice %arg4[%add3A_83] : memref<6400000xi32, #tpu.memory_space<hbm>> -> memref<10000xi32, #tpu.memory_space<hbm>>
        tpu.wait_dma2 semaphore(%arg16 : memref<!tpu.dma_semaphore, #tpu.memory_space<semaphore_mem>>) src(%dma_wait3A_87 : memref<10000xi32, #tpu.memory_space<hbm>>) dst(%arg11 : memref<10000xi32, #tpu.memory_space<vmem>>)
        %dma_start3A_88 = arith.constant 0 : i32
        %dma_start3A_89 = tpu.memref_slice %arg6[%dma_start3A_88] : memref<100000xf32, #tpu.memory_space<vmem_shared>> -> memref<100000xf32, #tpu.memory_space<vmem_shared>>
        tpu.enqueue_indirect_dma source(%dma_start3A_89 : memref<100000xf32, #tpu.memory_space<vmem_shared>>) target(%arg13 : memref<10000xf32, #tpu.memory_space<vmem>>) offsets(%arg9 : memref<10000xi32, #tpu.memory_space<vmem>>) semaphore(%arg18 : memref<!tpu.dma_semaphore, #tpu.memory_space<semaphore_mem>>)
      } else {
      }
      "tpu.region"() ({
        %run_scoped3A = tpu.sem_alloc : memref<!tpu.dma_semaphore, #tpu.memory_space<semaphore_mem>>
        %dma_start3A_79 = arith.constant 0 : i32
        %dma_start3A_80 = tpu.memref_slice %arg7[%dma_start3A_79] : memref<102400xf32, #tpu.memory_space<vmem_shared>> -> memref<102400xf32, #tpu.memory_space<vmem_shared>>
        tpu.enqueue_indirect_dma source(%arg12 : memref<10000xf32, #tpu.memory_space<vmem>>) target(%dma_start3A_80 : memref<102400xf32, #tpu.memory_space<vmem_shared>>) offsets(%arg10 : memref<10000xi32, #tpu.memory_space<vmem>>) semaphore(%run_scoped3A : memref<!tpu.dma_semaphore, #tpu.memory_space<semaphore_mem>>) {add = true}
        %dma_wait3A_81 = arith.constant 0 : i32
        %dma_wait3A_82 = tpu.memref_slice %arg7[%dma_wait3A_81] : memref<102400xf32, #tpu.memory_space<vmem_shared>> -> memref<102400xf32, #tpu.memory_space<vmem_shared>>
        tpu.wait_indirect_dma semaphore(%run_scoped3A : memref<!tpu.dma_semaphore, #tpu.memory_space<semaphore_mem>>) src(%arg12 : memref<10000xf32, #tpu.memory_space<vmem>>) dst(%dma_wait3A_82 : memref<102400xf32, #tpu.memory_space<vmem_shared>>)
        tpu.yield
      }) : () -> ()
      %add3A_52 = arith.constant 2 : i32
      %add3A_53 = arith.addi %mul3A_43, %add3A_52 : i32
      %lt3A_54 = arith.constant 20 : i32
      %lt3A_55 = arith.cmpi slt, %add3A_53, %lt3A_54 : i32
      %convert_element_type3A_56 = arith.extui %lt3A_55 : i1 to i32
      %cond3A_57 = arith.constant 0 : i32
      %cond3A_58 = arith.cmpi ne, %convert_element_type3A_56, %cond3A_57 : i32
      scf.if %cond3A_58 {
        %add3A_79 = arith.constant 2 : i32
        %add3A_80 = arith.addi %mul3A_43, %add3A_79 : i32
        %mul3A_81 = arith.constant 10000 : i32
        %mul3A_82 = arith.muli %add3A_80, %mul3A_81 : i32
        %add3A_83 = arith.addi %mul3A_11, %mul3A_82 : i32
        %dma_start3A_84 = tpu.memref_slice %arg3[%add3A_83] : memref<6400000xi32, #tpu.memory_space<hbm>> -> memref<10000xi32, #tpu.memory_space<hbm>>
        %dma_start3A_85 = tpu.memref_slice %arg3[%add3A_83] : memref<6400000xi32, #tpu.memory_space<hbm>> -> memref<10000xi32, #tpu.memory_space<hbm>>
        tpu.enqueue_dma source(%dma_start3A_85 : memref<10000xi32, #tpu.memory_space<hbm>>) target(%arg8 : memref<10000xi32, #tpu.memory_space<vmem>>) target_semaphore(%arg15 : memref<!tpu.dma_semaphore, #tpu.memory_space<semaphore_mem>>)
        %dma_start3A_86 = tpu.memref_slice %arg4[%add3A_83] : memref<6400000xi32, #tpu.memory_space<hbm>> -> memref<10000xi32, #tpu.memory_space<hbm>>
        %dma_start3A_87 = tpu.memref_slice %arg4[%add3A_83] : memref<6400000xi32, #tpu.memory_space<hbm>> -> memref<10000xi32, #tpu.memory_space<hbm>>
        tpu.enqueue_dma source(%dma_start3A_87 : memref<10000xi32, #tpu.memory_space<hbm>>) target(%arg10 : memref<10000xi32, #tpu.memory_space<vmem>>) target_semaphore(%arg15 : memref<!tpu.dma_semaphore, #tpu.memory_space<semaphore_mem>>)
      } else {
      }
      %mul3A_59 = arith.constant 2 : i32
      %mul3A_60 = arith.muli %mul3A_59, %scan3A_41 : i32
      %add3A_61 = arith.constant 1 : i32
      %add3A_62 = arith.addi %mul3A_60, %add3A_61 : i32
      %dma_wait3A_63 = arith.constant 0 : i32
      %dma_wait3A_64 = tpu.memref_slice %arg6[%dma_wait3A_63] : memref<100000xf32, #tpu.memory_space<vmem_shared>> -> memref<100000xf32, #tpu.memory_space<vmem_shared>>
      tpu.wait_indirect_dma semaphore(%arg18 : memref<!tpu.dma_semaphore, #tpu.memory_space<semaphore_mem>>) src(%dma_wait3A_64 : memref<100000xf32, #tpu.memory_space<vmem_shared>>) dst(%arg13 : memref<10000xf32, #tpu.memory_space<vmem>>)
      %add3A_65 = arith.constant 1 : i32
      %add3A_66 = arith.addi %add3A_62, %add3A_65 : i32
      %lt3A_67 = arith.constant 20 : i32
      %lt3A_68 = arith.cmpi slt, %add3A_66, %lt3A_67 : i32
      %convert_element_type3A_69 = arith.extui %lt3A_68 : i1 to i32
      %cond3A_70 = arith.constant 0 : i32
      %cond3A_71 = arith.cmpi ne, %convert_element_type3A_69, %cond3A_70 : i32
      scf.if %cond3A_71 {
        %add3A_79 = arith.constant 1 : i32
        %add3A_80 = arith.addi %add3A_62, %add3A_79 : i32
        %mul3A_81 = arith.constant 10000 : i32
        %mul3A_82 = arith.muli %add3A_80, %mul3A_81 : i32
        %add3A_83 = arith.addi %mul3A_11, %mul3A_82 : i32
        %dma_wait3A_84 = tpu.memref_slice %arg3[%add3A_83] : memref<6400000xi32, #tpu.memory_space<hbm>> -> memref<10000xi32, #tpu.memory_space<hbm>>
        %dma_wait3A_85 = tpu.memref_slice %arg3[%add3A_83] : memref<6400000xi32, #tpu.memory_space<hbm>> -> memref<10000xi32, #tpu.memory_space<hbm>>
        tpu.wait_dma2 semaphore(%arg15 : memref<!tpu.dma_semaphore, #tpu.memory_space<semaphore_mem>>) src(%dma_wait3A_85 : memref<10000xi32, #tpu.memory_space<hbm>>) dst(%arg8 : memref<10000xi32, #tpu.memory_space<vmem>>)
        %dma_wait3A_86 = tpu.memref_slice %arg4[%add3A_83] : memref<6400000xi32, #tpu.memory_space<hbm>> -> memref<10000xi32, #tpu.memory_space<hbm>>
        %dma_wait3A_87 = tpu.memref_slice %arg4[%add3A_83] : memref<6400000xi32, #tpu.memory_space<hbm>> -> memref<10000xi32, #tpu.memory_space<hbm>>
        tpu.wait_dma2 semaphore(%arg15 : memref<!tpu.dma_semaphore, #tpu.memory_space<semaphore_mem>>) src(%dma_wait3A_87 : memref<10000xi32, #tpu.memory_space<hbm>>) dst(%arg10 : memref<10000xi32, #tpu.memory_space<vmem>>)
        %dma_start3A_88 = arith.constant 0 : i32
        %dma_start3A_89 = tpu.memref_slice %arg6[%dma_start3A_88] : memref<100000xf32, #tpu.memory_space<vmem_shared>> -> memref<100000xf32, #tpu.memory_space<vmem_shared>>
        tpu.enqueue_indirect_dma source(%dma_start3A_89 : memref<100000xf32, #tpu.memory_space<vmem_shared>>) target(%arg12 : memref<10000xf32, #tpu.memory_space<vmem>>) offsets(%arg8 : memref<10000xi32, #tpu.memory_space<vmem>>) semaphore(%arg17 : memref<!tpu.dma_semaphore, #tpu.memory_space<semaphore_mem>>)
      } else {
      }
      "tpu.region"() ({
        %run_scoped3A = tpu.sem_alloc : memref<!tpu.dma_semaphore, #tpu.memory_space<semaphore_mem>>
        %dma_start3A_79 = arith.constant 0 : i32
        %dma_start3A_80 = tpu.memref_slice %arg7[%dma_start3A_79] : memref<102400xf32, #tpu.memory_space<vmem_shared>> -> memref<102400xf32, #tpu.memory_space<vmem_shared>>
        tpu.enqueue_indirect_dma source(%arg13 : memref<10000xf32, #tpu.memory_space<vmem>>) target(%dma_start3A_80 : memref<102400xf32, #tpu.memory_space<vmem_shared>>) offsets(%arg11 : memref<10000xi32, #tpu.memory_space<vmem>>) semaphore(%run_scoped3A : memref<!tpu.dma_semaphore, #tpu.memory_space<semaphore_mem>>) {add = true}
        %dma_wait3A_81 = arith.constant 0 : i32
        %dma_wait3A_82 = tpu.memref_slice %arg7[%dma_wait3A_81] : memref<102400xf32, #tpu.memory_space<vmem_shared>> -> memref<102400xf32, #tpu.memory_space<vmem_shared>>
        tpu.wait_indirect_dma semaphore(%run_scoped3A : memref<!tpu.dma_semaphore, #tpu.memory_space<semaphore_mem>>) src(%arg13 : memref<10000xf32, #tpu.memory_space<vmem>>) dst(%dma_wait3A_82 : memref<102400xf32, #tpu.memory_space<vmem_shared>>)
        tpu.yield
      }) : () -> ()
      %add3A_72 = arith.constant 2 : i32
      %add3A_73 = arith.addi %add3A_62, %add3A_72 : i32
      %lt3A_74 = arith.constant 20 : i32
      %lt3A_75 = arith.cmpi slt, %add3A_73, %lt3A_74 : i32
      %convert_element_type3A_76 = arith.extui %lt3A_75 : i1 to i32
      %cond3A_77 = arith.constant 0 : i32
      %cond3A_78 = arith.cmpi ne, %convert_element_type3A_76, %cond3A_77 : i32
      scf.if %cond3A_78 {
        %add3A_79 = arith.constant 2 : i32
        %add3A_80 = arith.addi %add3A_62, %add3A_79 : i32
        %mul3A_81 = arith.constant 10000 : i32
        %mul3A_82 = arith.muli %add3A_80, %mul3A_81 : i32
        %add3A_83 = arith.addi %mul3A_11, %mul3A_82 : i32
        %dma_start3A_84 = tpu.memref_slice %arg3[%add3A_83] : memref<6400000xi32, #tpu.memory_space<hbm>> -> memref<10000xi32, #tpu.memory_space<hbm>>
        %dma_start3A_85 = tpu.memref_slice %arg3[%add3A_83] : memref<6400000xi32, #tpu.memory_space<hbm>> -> memref<10000xi32, #tpu.memory_space<hbm>>
        tpu.enqueue_dma source(%dma_start3A_85 : memref<10000xi32, #tpu.memory_space<hbm>>) target(%arg9 : memref<10000xi32, #tpu.memory_space<vmem>>) target_semaphore(%arg16 : memref<!tpu.dma_semaphore, #tpu.memory_space<semaphore_mem>>)
        %dma_start3A_86 = tpu.memref_slice %arg4[%add3A_83] : memref<6400000xi32, #tpu.memory_space<hbm>> -> memref<10000xi32, #tpu.memory_space<hbm>>
        %dma_start3A_87 = tpu.memref_slice %arg4[%add3A_83] : memref<6400000xi32, #tpu.memory_space<hbm>> -> memref<10000xi32, #tpu.memory_space<hbm>>
        tpu.enqueue_dma source(%dma_start3A_87 : memref<10000xi32, #tpu.memory_space<hbm>>) target(%arg11 : memref<10000xi32, #tpu.memory_space<vmem>>) target_semaphore(%arg16 : memref<!tpu.dma_semaphore, #tpu.memory_space<semaphore_mem>>)
      } else {
      }
    }
    %scan3A_35 = arith.constant 10 : i32
    %barrier3A_36 = arith.constant 0 : index
    tpu.barrier barrier_id(%barrier3A_36)
    %mul3A_37 = arith.constant 6400 : i32
    %mul3A_38 = arith.muli %arg1, %mul3A_37 : i32
    %mul3A_39 = arith.constant 6400 : i32
    %mul3A_40 = arith.muli %arg1, %mul3A_39 : i32
    "tpu.region"() ({
      %run_scoped3A = tpu.sem_alloc : memref<!tpu.dma_semaphore, #tpu.memory_space<semaphore_mem>>
      %dma_start3A_41 = tpu.memref_slice %arg5[%arg0, %mul3A_40] : memref<2x102400xf32, #tpu.memory_space<hbm>> -> memref<1x6400xf32, #tpu.memory_space<hbm>>
      %dma_start3A_42 = tpu.memref_squeeze %dma_start3A_41 : memref<1x6400xf32, #tpu.memory_space<hbm>> -> memref<6400xf32, #tpu.memory_space<hbm>>
      %dma_start3A_43 = tpu.memref_slice %arg7[%mul3A_38] : memref<102400xf32, #tpu.memory_space<vmem_shared>> -> memref<6400xf32, #tpu.memory_space<vmem_shared>>
      tpu.enqueue_dma source(%dma_start3A_43 : memref<6400xf32, #tpu.memory_space<vmem_shared>>) target(%dma_start3A_42 : memref<6400xf32, #tpu.memory_space<hbm>>) target_semaphore(%run_scoped3A : memref<!tpu.dma_semaphore, #tpu.memory_space<semaphore_mem>>)
      %dma_wait3A_44 = tpu.memref_slice %arg5[%arg0, %mul3A_40] : memref<2x102400xf32, #tpu.memory_space<hbm>> -> memref<1x6400xf32, #tpu.memory_space<hbm>>
      %dma_wait3A_45 = tpu.memref_squeeze %dma_wait3A_44 : memref<1x6400xf32, #tpu.memory_space<hbm>> -> memref<6400xf32, #tpu.memory_space<hbm>>
      %dma_wait3A_46 = tpu.memref_slice %arg7[%mul3A_38] : memref<102400xf32, #tpu.memory_space<vmem_shared>> -> memref<6400xf32, #tpu.memory_space<vmem_shared>>
      tpu.wait_dma2 semaphore(%run_scoped3A : memref<!tpu.dma_semaphore, #tpu.memory_space<semaphore_mem>>) src(%dma_wait3A_46 : memref<6400xf32, #tpu.memory_space<vmem_shared>>) dst(%dma_wait3A_45 : memref<6400xf32, #tpu.memory_space<hbm>>)
      tpu.yield
    }) : () -> ()
    return
  }
}

</mosaic_0001>

<sc_bundles>
// kernel: _sc_scatter.3.cloned.1.call-start
scs
__scs_entry_jumppad:
0x0: {  	(pc) =	sbr.rel $0x88, $3  }
0x1: {  	(tag) =	ssettag $0x0;
	lr =	simm.s32 $0x1  }
0x2: {  	[smem:$0x3F9E] =	sst lr;
	_ =	strace $0xD0000000  }
0x3: {  	_ = 	snop  }
0x4: {  	_ = 	snop  }
0x5: {  	_ = 	snop  }
0x6: {  	_ = 	snop  }
0x7: {  	_ = 	snop  }
__scs_overlays_trampoline_lowered:
0x8: {  	[smem:$0x3FAD] =	sst s0  }
0x9: {  	[smem:$0x3FAE] =	sst s1  }
0xa: {  	[smem:$0x3FAF] =	sst s2  }
0xb: {  	[smem:$0x3FB0] =	sst s3  }
0xc: {  	[smem:$0x3FB1] =	sst s4  }
0xd: {  	[smem:$0x3FB2] =	sst s5  }
0xe: {  	[smem:$0x3FB3] =	sst s6  }
0xf: {  	[smem:$0x3FB4] =	sst s7  }
0x10: {  	[smem:$0x3FB5] =	sst s8  }
0x11: {  	[smem:$0x3FB6] =	sst s9;
	s0 =	simm.s32 @!p0 $0x0  }
0x12: {  	s1 =	sld [smem:$0x3F9C];
	s0 =	simm.s32 @p0 $0x1  }
0x13: {  	[smem:$0x3FB7] =	sst s0;
	s0 =	simm.s32 @!p1 $0x0  }
0x14: {  	s2 =	sld [smem:$0x3F9B];
	s0 =	simm.s32 @p1 $0x1  }
0x15: {  	[smem:$0x3FB8] =	sst s0;
	s0 =	simm.s32 @!p2 $0x0  }
0x16: {  	s3 =	sld [smem:$0x3FDB];
	s0 =	simm.s32 @p2 $0x1  }
0x17: {  	s4 =	simm.s32 $0x1BF5;
	[smem:$0x3FBA] =	sst s0  }
0x18: {  	s0 =	sld [smem:$0x3F9D];
	_ =	swait.ge [sflag:s4], $0x0  }
0x19: {  	s7 =	sld [smem:$0x3F9E]  }
0x1a: {  	s8 =	sadd.s32 $0xFFFFE003, lr  }
0x1b: {  	s9 =	sadd.s32 $0xFFFFFEF7, lr;
	s5 =	simm.s32 $0xFFFFFFFF;
	p2 =	slt.u32 s8, $0xFFFFF086  }
0x1c: {  	p1 =	slt.u32 s9, $0xF7A;
	s5 =	simm.s32 @!p2 $0x0  }
0x1d: {  	s5 =	simm.s32 @p1 $0x1;
	p0 =	seq.s32 s7, s2  }
0x1e: {  	s7 =	smul.u32 @!p0 $0xF7A, s2;
	p2 =	seq.s32 @!p0 s5, $0x0  }
0x1f: {  	s9 =	smul.u32 $0xF7A, s1;
	s8 =	simm.s32 @!p0 $0x1BF5;
	p2 =	por !p2, p0  }
0x20: {  	[sflag:s8] =	ssyncset.s32 @!p0 $0xFFFFF086;
	s6 =	sadd.s32 @!p0 s3, s7;
	s7 =	simm.s32 @!p0 $0x108  }
0x21: {  	s3 =	sadd.s32 s3, s9;
	s6 =	sadd.s32 @!p0 $0x88, s6;
	s7 =	simm.s32 @p2 $0x1082  }
0x22: {  	[simem:s7], [sflag:s8] =	dma.local @!p0 [hbm:s6], $0xF7A  }
0x23: {  	s9 =	sor.u32 $0xD0000000, s2;
	s6 =	simm.s32 $0x108;
	_ =	swait.ge @!p0 [sflag:s8], $0x0  }
0x24: {  	s3 =	sadd.s32 $0x88, s3;
	s6 =	simm.s32 @!p1 $0x1082;
	[sflag:s4] =	ssyncset.s32 $0xFFFFF086  }
0x25: {  	[simem:s6], [sflag:s4] =	dma.local [hbm:s3], $0xF7A  }
0x26: {  	[smem:$0x3F9E] =	sst s1;
	(tag) =	ssettag s2;
	_ =	strace s9  }
0x27: {  	s1 =	sld [smem:$0x3FAE]  }
0x28: {  	s2 =	sld [smem:$0x3FAF]  }
0x29: {  	s4 =	sld [smem:$0x3FB1]  }
0x2a: {  	p0 =	seq.s32 s5, $0x0;
	s5 =	sld [smem:$0x3FB2]  }
0x2b: {  	s6 =	sld [smem:$0x3FB3]  }
0x2c: {  	s7 =	sld [smem:$0x3FB4]  }
0x2d: {  	s3 =	simm.s32 $0x108;
	s8 =	sld [smem:$0x3FB5]  }
0x2e: {  	s3 =	simm.s32 @!p0 $0x1082;
	s9 =	sld [smem:$0x3FB6]  }
0x2f: {  	lr =	sadd.s32 s0, s3;
	s0 =	sld [smem:$0x3FAD]  }
0x30: {  	s3 =	sld [smem:$0x3FB0]  }
0x31: {  	[smem:$0x3FB9] =	sst s10  }
0x32: {  	s10 =	sld [smem:$0x3FB7];
	_ =	sdelay $0x3  }
0x33: {  	p0 =	seq.s32 s10, $0x1;
	s10 =	sld [smem:$0x3FB9];
	_ =	sdelay $0x3  }
0x34: {  	[smem:$0x3FB9] =	sst s10  }
0x35: {  	s10 =	sld [smem:$0x3FB8];
	_ =	sdelay $0x3  }
0x36: {  	p1 =	seq.s32 s10, $0x1;
	s10 =	sld [smem:$0x3FB9];
	_ =	sdelay $0x3  }
0x37: {  	[smem:$0x3FB9] =	sst s10  }
0x38: {  	s10 =	sld [smem:$0x3FBA]  }
0x39: {  	_ = 	snop;
	(pc) =	sbr.ind lr, $3  }
0x3a: {  	_ = 	snop  }
0x3b: {  	_ = 	snop  }
0x3c: {  	p2 =	seq.s32 s10, $0x1;
	s10 =	sld [smem:$0x3FB9]  }
0x3d: {  	_ =	shalt  }
0x3e: {  	_ =	shalt  }
0x3f: {  	_ =	shalt  }
0x40: {  	_ =	shalt  }
0x41: {  	_ =	shalt  }
0x42: {  	_ =	shalt  }
0x43: {  	_ =	shalt  }
0x44: {  	_ =	shalt  }
0x45: {  	_ =	shalt  }
0x46: {  	_ =	shalt  }
0x47: {  	_ =	shalt  }
0x48: {  	_ =	shalt  }
0x49: {  	_ =	shalt  }
0x4a: {  	_ =	shalt  }
0x4b: {  	_ =	shalt  }
0x4c: {  	_ =	shalt  }
0x4d: {  	_ =	shalt  }
0x4e: {  	_ =	shalt  }
0x4f: {  	_ =	shalt  }
0x50: {  	_ =	shalt  }
0x51: {  	_ =	shalt  }
0x52: {  	_ =	shalt  }
0x53: {  	_ =	shalt  }
0x54: {  	_ =	shalt  }
0x55: {  	_ =	shalt  }
0x56: {  	_ =	shalt  }
0x57: {  	_ =	shalt  }
0x58: {  	_ =	shalt  }
0x59: {  	_ =	shalt  }
0x5a: {  	_ =	shalt  }
0x5b: {  	_ =	shalt  }
0x5c: {  	_ =	shalt  }
0x5d: {  	_ =	shalt  }
0x5e: {  	_ =	shalt  }
0x5f: {  	_ =	shalt  }
0x60: {  	_ =	shalt  }
0x61: {  	_ =	shalt  }
0x62: {  	_ =	shalt  }
0x63: {  	_ =	shalt  }
0x64: {  	_ =	shalt  }
0x65: {  	_ =	shalt  }
0x66: {  	_ =	shalt  }
0x67: {  	_ =	shalt  }
0x68: {  	_ =	shalt  }
0x69: {  	_ =	shalt  }
0x6a: {  	_ =	shalt  }
0x6b: {  	_ =	shalt  }
0x6c: {  	_ =	shalt  }
0x6d: {  	_ =	shalt  }
0x6e: {  	_ =	shalt  }
0x6f: {  	_ =	shalt  }
0x70: {  	_ =	shalt  }
0x71: {  	_ =	shalt  }
0x72: {  	_ =	shalt  }
0x73: {  	_ =	shalt  }
0x74: {  	_ =	shalt  }
0x75: {  	_ =	shalt  }
0x76: {  	_ =	shalt  }
0x77: {  	_ =	shalt  }
0x78: {  	_ =	shalt  }
0x79: {  	_ =	shalt  }
0x7a: {  	_ =	shalt  }
0x7b: {  	_ =	shalt  }
0x7c: {  	_ =	shalt  }
0x7d: {  	_ =	shalt  }
0x7e: {  	_ =	shalt  }
0x7f: {  	_ =	shalt  }
0x80: {  	_ =	shalt  }
0x81: {  	_ =	shalt  }
0x82: {  	_ =	shalt  }
0x83: {  	_ =	shalt  }
0x84: {  	_ =	shalt  }
0x85: {  	_ =	shalt  }
0x86: {  	_ =	shalt  }
0x87: {  	_ =	shalt  }
.Lfunc_end0:
.L_simem_size_0:
called_computation_lowered:
.L_overlay_start_0:
0x88: {  	s2 =	sld [smem:$0x3FD9]  }
0x89: {  	s3 =	sld [smem:$0x3FFE];
	_ =	sdelay $0x1  }
0x8a: {  	s1 =	srdreg.scid  }
0x8b: {  	s0 =	sand.u32 $0x1, s1  }
0x8c: {  	s18 =	sshll.u32 s0, $0xA;
	s2 =	sadd.s32 s3, s2  }
0x8d: {  	s2 =	sadd.s32 s2, s18  }
0x8e: {  	[smem:$0x3FC5] =	sst s2  }
0x8f: {  	_ = 	snop  }
0x90: {  	s2 =	sld [smem:$0x3FC9]  }
0x91: {  	s19 =	sld [smem:$0x3FC8]  }
0x92: {  	s4 =	sld [smem:$0x3FC7]  }
0x93: {  	s5 =	sld [smem:$0x3FD0];
	(tm) =	ssettm $0x1  }
0x94: {  	s6 =	sld [smem:$0x3FFB];
	_ =	sdelay $0x3  }
0x95: {  	_ =	strace s6  }
0x96: {  	s6 =	sld [smem:$0x3FFC];
	_ =	sdelay $0x3  }
0x97: {  	_ =	strace s6  }
0x98: {  	s6 =	sld [smem:$0x3FFD];
	_ =	sdelay $0x3  }
0x99: {  	_ =	strace s6  }
0x9a: {  	_ =	strace $0x8FFFFFFF  }
0x9b: {  	s20 =	sld [smem:$0x3FDB];
	_ =	sdelay $0x1  }
0x9c: {  	s7 =	simm.s32 $_scs_section_size  }
0x9d: {  	s8 =	simm.s32 $_size__tile_overlayer_lowered;
	s9 =	simm.s32 $_tile_overlayer_lowered  }
0x9e: {  	s23 =	simm.s32 $0x1BFF;
	s22 =	sshll.u32 s9, $0x1;
	s6 =	sadd.s32 s7, s20  }
0x9f: {  	s10 =	simm.s32 $0x0;
	s21 =	sshll.u32 s8, $0x1;
	s8 =	sadd.s32 s22, s6  }
0xa0: {  	[timem:s10], [sflag:s23] =	dma.local [hbm:s8], s21  }
0xa1: {  	_ =	swait.ge [sflag:s23], s21  }
0xa2: {  	s7 =	ssub.s32 $0x0, s21;
	[sflag:s23] =	ssyncset.done $0x0  }
0xa3: {  	[sflag:s23] =	ssyncadd.s32 s7;
	_ =	sdelay $0x1  }
0xa4: {  	s24 =	simm.s32 $0x1B8B  }
0xa5: {  	_ =	swait.ge [sflag:s24], $0x1  }
0xa6: {  	[sflag:s24] =	ssyncset.done $0x0  }
0xa7: {  	s25 =	simm.s32 $0x1B8E;
	[sflag:s24] =	ssyncadd.s32 $0xFFFFFFFF  }
0xa8: {  	s26 =	simm.s32 $execute0_lowered;
	[smem:$0x3FD2] =	sst s25  }
0xa9: {  	s7 =	sshll.u32 s26, $0x1;
	_ =	strace $0x80000046;
	[dreg:$0x1] =	wrdreg $0xFFFFFFFF  }
0xaa: {  	s28 =	simm.s32 $_size_execute0_lowered;
	s6 =	sadd.s32 s6, s7;
	[dreg:$0x0] =	wrdreg $0x0  }
0xab: {  	s7 =	sshll.u32 s28, $0x1;
	[dreg:$0x2] =	wrdreg s6  }
0xac: {  	[dreg:$0x3] =	wrdreg s7  }
0xad: {  	[dreg:$0x4] =	wrdreg $0xC0  }
0xae: {  	_ =	task [dreg:s10], $0x5FFFF  }
0xaf: {  	[dreg:$0x1] =	wrdreg $0xFFFFFFFF  }
0xb0: {  	[dreg:$0x0] =	wrdreg $0x60  }
0xb1: {  	[dreg:$0x2] =	wrdreg s2  }
0xb2: {  	[dreg:$0x3] =	wrdreg s19  }
0xb3: {  	[dreg:$0x4] =	wrdreg s4  }
0xb4: {  	[dreg:$0x5] =	wrdreg s5  }
0xb5: {  	[dreg:$0x6] =	wrdreg $0x18700  }
0xb6: {  	[dreg:$0x7] =	wrdreg $0x0  }
0xb7: {  	[dreg:$0x8] =	wrdreg $0x9  }
0xb8: {  	_ =	task.clear_ibuf [dreg:s10], $0x9FFFF;
	_ =	strace $0x90000046  }
0xb9: {  	s29 =	simm.s32 $0x9;
	_ =	strace $0x80000048  }
0xba: {  	_ =	swait.ge [sflag:s29], $0x1  }
0xbb: {  	[sflag:s29] =	ssyncadd.s32 $0xFFFFFFFF  }
0xbc: {  	_ =	strace $0x90000048  }
0xbd: {  	_ =	sfence  }
0xbe: {  	s30 =	sld [smem:$0x0];
	_ =	sdelay $0x2  }
0xbf: {  	s31 =	sshll.u32 s1, $0xD;
	s1 =	sshrl.u32 s1, $0x2  }
0xc0: {  	s3 =	sand.u32 $0x4000, s31;
	s1 =	sadd.s32 s1, s30  }
0xc1: {  	s0 =	sor.u32 s3, s0;
	s1 =	sshll.u32 s1, $0x11  }
0xc2: {  	s0 =	sor.u32 s1, s0  }
0xc3: {  	s0 =	sadd.s32 $0x8F2B, s0  }
0xc4: {  	[sflag:s0] =	ssyncadd.remote.s32 $0x1  }
0xc5: {  	_ =	sfence.sel $0xFFFF  }
0xc6: {  	[dreg:$0x0] =	wrdreg $0xFFFFFFFF;
	(pc) =	sbr.abs _section_cstart, $3  }
0xc7: {  	[dreg:$0x1] =	wrdreg $0xFFFFFFFF  }
0xc8: {  	_ =	task.clear_ibuf [dreg:s10], $0x2FFFF;
	_ =	strace $0x9FFFFFFF  }
0xc9: {  	(tm) =	ssettm $0x7FFFFFFF  }
tec
execute0_lowered:
.L_overlay_start_1:
0x0: {  	(tag) =	ssettag $0x1  }
0x1: {  	s1 =	rddreg [dreg:$0x1]  }
0x2: {  	s3 =	rddreg [dreg:$0x2]  }
0x3: {  	s0 =	rddreg [dreg:$0x3]  }
0x4: {  	s4 =	rddreg [dreg:$0x4]  }
0x5: {  	s5 =	rddreg [dreg:$0x5];
	s2 =	srdreg.scid;
	s6 =	simm.s32 $0x0  }
0x6: {  	s11 =	stileid.u32;
	s19 =	simm.s32 $0x5;
	s28 =	simm.s32 $0xCF70  }
0x7: {  	s29 =	simm.s32 $0x3;
	s30 =	simm.s32 $0x2;
	s9 =	smul.u32 $0x6400, s11  }
0x8: {  	s31 =	simm.s32 $0xF6F0;
	s2 =	sand.u32 $0x1, s2;
	s12 =	smul.u32 $0x3200, s11  }
0x9: {  	[smem:$0x7FF] =	sst s6;
	s13 =	smul.u32 $0x30D40, s11;
	p0 =	sne.s32 s11, $0x0  }
0xa: {  	s7 =	sshll.u32 s2, $0x4;
	s8 =	ssub.s32 $0x2, s2;
	_ =	strace $0x80000047  }
0xb: {  	s21 =	smul.u32 $0x30D400, s2;
	s2 =	sshll.u32 s2, $0x7;
	s7 =	sor.u32 s11, s7  }
0xc: {  	s10 =	sshrl.u32 s8, $0x1;
	s20 =	sshrl.u32 s9, $0x2;
	s2 =	sor.u32 s2, s12  }
0xd: {  	s7 =	smul.u32 $0x30D40, s7;
	s14 =	ssub.s32 s8, s10;
	s8 =	sadd.s32 s20, s4  }
0xe: {  	s9 =	sadd.s32 s13, s21;
	s2 =	sshrl.u32 s2, $0x3;
	s20 =	sshrl.u32 @!p0 s5, $0x3  }
0xf: {  	s21 =	simm.s32 $0x3170;
	s25 =	sadd.s32 $0x7530, s9;
	s13 =	sadd.s32 s0, s2  }
0x10: {  	s14 =	smax.u32 s14, $0x1;
	s17 =	sadd.s32 $0x4E20, s9;
	s2 =	simm.s32 $0x4  }
0x11: {  	s7 =	sshrl.u32 s7, $0x3;
	s26 =	sshrl.u32 s25, $0x3;
	s25 =	simm.s32 $0x1  }
0x12: {  	s22 =	sadd.s32 s1, s7;
	s23 =	sadd.s32 s3, s7;
	s7 =	sadd.s32 $0x4E2, s7  }
0x13: {  	s15 =	sadd.s32 s26, s3;
	s16 =	sadd.s32 s26, s1;
	[dreg:$0x7] =	wrdreg s22  }
0x14: {  	s26 =	simm.s32 $0x2710;
	[dreg:$0x8] =	wrdreg s23;
	s24 =	sadd.s32 s1, s7  }
0x15: {  	s12 =	sadd.s32 s3, s7;
	s22 =	simm.s32 $0x8070;
	s23 =	simm.s32 $0x58F0  }
0x16: {  	v0 =	vimm.f32 $0.0e+00;
	s7 =	simm.s32 $0x0;
	[dreg:$0x9] =	wrdreg s24;
	s24 =	simm.s32 $0xA7F0  }
.LBB2_1:
0x17: {  	s0 =	simm.s32 $0x40;
	s9 =	simm.s32 $0x0  }
.LBB2_2:
0x18: {  	p1 =	sne.s32 s0, $0x63C0;
	[tilespmem:s9+$0x11E70] =	vst v0;
	s9 =	smov.u32 s0;
	s0 =	sadd.s32 $0x40, s0  }
.Ltmp0:
0x19: {  	(pc) =	sbr.rel @p1 .LBB2_2-.Ltmp0, $2  }
0x1a: {  	_ =	sdelay $0x2  }
0x1b: {  	s9 =	sshra.s32 s9, $0x2  }
0x1c: {  	[tilespmem:s9+$0x11E70] =	vst v0;
	s0 =	simm.s32 $0x11E70  }
0x1d: {  	[spmem:s8] =	stream.linear.scatter [tilespmem:s0], [sflag:$0x5], $0x1900, $0x38;
	[tilespmem:$0x13770] =	vst v63  }
0x1e: {  	_ =	swait.ge [sflag:s19], $0x1900  }
0x1f: {  	[sflag:s19] =	ssyncset.done $0x0  }
0x20: {  	[sflag:s19] =	ssyncadd.s32 $0xFFFFE700  }
0x21: {  	s0 =	simm.s32 @!p0 $0x1C05;
	s9 =	rddreg [dreg:$0x0]  }
0x22: {  	[spmem:s20], [sflag:s0] =	dma.local @!p0 [hbm:s9], $0x30E0  }
0x23: {  	s0 =	simm.s32 @!p0 $0x5  }
0x24: {  	_ =	swait.ge @!p0 [sflag:s0], $0x30E0  }
0x25: {  	[sflag:s0] =	ssyncset.done @!p0 $0x0  }
0x26: {  	[sflag:s0] =	ssyncadd.s32 @!p0 $0xFFFFCF20  }
0x27: {  	[bflag:$0x0] =	sbarrier.arrive $0xFFFF  }
0x28: {  	s0 =	simm.s32 $0x0;
	s10 =	rddreg [dreg:$0x7]  }
0x29: {  	[tilespmem:s21], [sflag:$0x1] =	stream.linear.gather [hbm4b:s10+s0], $0x2710, $0x38;
	[tilespmem:$0x13770] =	vst v63  }
0x2a: {  	s11 =	rddreg [dreg:$0x8]  }
0x2b: {  	[tilespmem:s22], [sflag:$0x1] =	stream.linear.gather [hbm4b:s11+s0], $0x2710, $0x38;
	[tilespmem:$0x13770] =	vst v63  }
0x2c: {  	s18 =	rddreg [dreg:$0x9]  }
0x2d: {  	[tilespmem:s23], [sflag:$0x2] =	stream.linear.gather [hbm4b:s18+s0], $0x2710, $0x38;
	[tilespmem:$0x13770] =	vst v63  }
0x2e: {  	_ = 	snop  }
0x2f: {  	[tilespmem:s24], [sflag:$0x2] =	stream.linear.gather [hbm4b:s12+s0], $0x2710, $0x38;
	[tilespmem:$0x13770] =	vst v63  }
0x30: {  	_ =	swait.ge [sflag:s25], $0x2710  }
0x31: {  	[sflag:s25] =	ssyncset.done $0x0  }
0x32: {  	[sflag:s25] =	ssyncadd.s32 $0xFFFFD8F0  }
0x33: {  	_ =	swait.ge [sflag:s25], $0x2710  }
0x34: {  	[sflag:s25] =	ssyncset.done $0x0  }
0x35: {  	[sflag:s25] =	ssyncadd.s32 $0xFFFFD8F0  }
0x36: {  	[tilespmem:s28], [sflag:$0x3] =	stream.indirect.gather [spmem:s5], $0x1, s21, s26, $0xb8;
	[tilespmem:$0x13770] =	vst v63  }
0x37: {  	_ =	swait.ge [sflag:s29], $0x2710  }
0x38: {  	[sflag:s29] =	ssyncset.done $0x0  }
0x39: {  	[sflag:s29] =	ssyncadd.s32 $0xFFFFD8F0  }
0x3a: {  	_ =	swait.ge [sflag:s30], $0x2710  }
0x3b: {  	[sflag:s30] =	ssyncset.done $0x0  }
0x3c: {  	[sflag:s30] =	ssyncadd.s32 $0xFFFFD8F0  }
0x3d: {  	_ =	swait.ge [sflag:s30], $0x2710  }
0x3e: {  	[sflag:s30] =	ssyncset.done $0x0  }
0x3f: {  	[sflag:s30] =	ssyncadd.s32 $0xFFFFD8F0  }
0x40: {  	[tilespmem:s31], [sflag:$0x4] =	stream.indirect.gather [spmem:s5], $0x1, s23, s26, $0xb8;
	[tilespmem:$0x13770] =	vst v63  }
0x41: {  	_ = 	snop  }
0x42: {  	[spmem:s4] =	stream.indirect.scatter.add.f32 [tilespmem:s28], [sflag:$0x5], $0x1, s22, s26, $0xb8;
	[tilespmem:$0x13770] =	vst v63  }
0x43: {  	_ =	swait.ge [sflag:s19], $0x2710  }
0x44: {  	s10 =	sshrl.u32 s17, $0x3;
	[sflag:s19] =	ssyncset.done $0x0  }
0x45: {  	s11 =	sadd.s32 s1, s10;
	[sflag:s19] =	ssyncadd.s32 $0xFFFFD8F0  }
0x46: {  	[tilespmem:s21], [sflag:$0x1] =	stream.linear.gather [hbm4b:s11+s6], $0x2710, $0x38;
	[tilespmem:$0x13770] =	vst v63  }
0x47: {  	s0 =	sadd.s32 s3, s10  }
0x48: {  	[tilespmem:s22], [sflag:$0x1] =	stream.linear.gather [hbm4b:s0+s6], $0x2710, $0x38;
	[tilespmem:$0x13770] =	vst v63  }
0x49: {  	_ =	swait.ge [sflag:s2], $0x2710  }
0x4a: {  	[sflag:s2] =	ssyncset.done $0x0  }
0x4b: {  	[sflag:s2] =	ssyncadd.s32 $0xFFFFD8F0  }
0x4c: {  	_ =	swait.ge [sflag:s25], $0x2710  }
0x4d: {  	[sflag:s25] =	ssyncset.done $0x0  }
0x4e: {  	[sflag:s25] =	ssyncadd.s32 $0xFFFFD8F0  }
0x4f: {  	_ =	swait.ge [sflag:s25], $0x2710  }
0x50: {  	[sflag:s25] =	ssyncset.done $0x0  }
0x51: {  	[sflag:s25] =	ssyncadd.s32 $0xFFFFD8F0  }
0x52: {  	[tilespmem:s28], [sflag:$0x3] =	stream.indirect.gather [spmem:s5], $0x1, s21, s26, $0xb8;
	[tilespmem:$0x13770] =	vst v63  }
0x53: {  	_ = 	snop  }
0x54: {  	[spmem:s4] =	stream.indirect.scatter.add.f32 [tilespmem:s31], [sflag:$0x5], $0x1, s24, s26, $0xb8;
	[tilespmem:$0x13770] =	vst v63  }
0x55: {  	_ =	swait.ge [sflag:s19], $0x2710  }
0x56: {  	[sflag:s19] =	ssyncset.done $0x0  }
0x57: {  	s18 =	sadd.s32 $0x0, s16;
	[sflag:s19] =	ssyncadd.s32 $0xFFFFD8F0  }
0x58: {  	[tilespmem:s23], [sflag:$0x2] =	stream.linear.gather [hbm4b:s18+s6], $0x2710, $0x38;
	[tilespmem:$0x13770] =	vst v63  }
0x59: {  	s9 =	sadd.s32 $0x0, s15;
	s0 =	simm.s32 $0x9C4;
	s18 =	sadd.s32 $0x4E20, s17  }
.LBB2_4:
0x5a: {  	[tilespmem:s24], [sflag:$0x2] =	stream.linear.gather [hbm4b:s9+s6], $0x2710, $0x38;
	[tilespmem:$0x13770] =	vst v63  }
0x5b: {  	s9 =	smov.u32 s0  }
0x5c: {  	p1 =	sne.s32 s0, $0x4E20;
	s0 =	sadd.s32 $0x9C4, s0;
	_ =	swait.ge [sflag:s29], $0x2710  }
0x5d: {  	[sflag:s29] =	ssyncset.done $0x0  }
0x5e: {  	[sflag:s29] =	ssyncadd.s32 $0xFFFFD8F0  }
0x5f: {  	_ =	swait.ge [sflag:s30], $0x2710  }
0x60: {  	[sflag:s30] =	ssyncset.done $0x0  }
0x61: {  	[sflag:s30] =	ssyncadd.s32 $0xFFFFD8F0  }
0x62: {  	_ =	swait.ge [sflag:s30], $0x2710  }
0x63: {  	[sflag:s30] =	ssyncset.done $0x0  }
0x64: {  	[sflag:s30] =	ssyncadd.s32 $0xFFFFD8F0  }
0x65: {  	[tilespmem:s31], [sflag:$0x4] =	stream.indirect.gather [spmem:s5], $0x1, s23, s26, $0xb8;
	[tilespmem:$0x13770] =	vst v63  }
0x66: {  	_ = 	snop  }
0x67: {  	[spmem:s4] =	stream.indirect.scatter.add.f32 [tilespmem:s28], [sflag:$0x5], $0x1, s22, s26, $0xb8;
	[tilespmem:$0x13770] =	vst v63  }
0x68: {  	_ =	swait.ge [sflag:s19], $0x2710  }
0x69: {  	s10 =	sshrl.u32 s18, $0x3;
	[sflag:s19] =	ssyncset.done $0x0  }
0x6a: {  	s11 =	sadd.s32 s1, s10;
	[sflag:s19] =	ssyncadd.s32 $0xFFFFD8F0  }
0x6b: {  	[tilespmem:s21], [sflag:$0x1] =	stream.linear.gather [hbm4b:s11+s6], $0x2710, $0x38;
	[tilespmem:$0x13770] =	vst v63  }
0x6c: {  	s10 =	sadd.s32 s3, s10  }
0x6d: {  	[tilespmem:s22], [sflag:$0x1] =	stream.linear.gather [hbm4b:s10+s6], $0x2710, $0x38;
	[tilespmem:$0x13770] =	vst v63  }
0x6e: {  	_ =	swait.ge [sflag:s2], $0x2710  }
0x6f: {  	[sflag:s2] =	ssyncset.done $0x0  }
0x70: {  	[sflag:s2] =	ssyncadd.s32 $0xFFFFD8F0  }
0x71: {  	_ =	swait.ge [sflag:s25], $0x2710  }
0x72: {  	[sflag:s25] =	ssyncset.done $0x0  }
0x73: {  	[sflag:s25] =	ssyncadd.s32 $0xFFFFD8F0  }
0x74: {  	_ =	swait.ge [sflag:s25], $0x2710  }
0x75: {  	[sflag:s25] =	ssyncset.done $0x0  }
0x76: {  	[sflag:s25] =	ssyncadd.s32 $0xFFFFD8F0  }
0x77: {  	[tilespmem:s28], [sflag:$0x3] =	stream.indirect.gather [spmem:s5], $0x1, s21, s26, $0xb8;
	[tilespmem:$0x13770] =	vst v63  }
0x78: {  	_ = 	snop  }
0x79: {  	[spmem:s4] =	stream.indirect.scatter.add.f32 [tilespmem:s31], [sflag:$0x5], $0x1, s24, s26, $0xb8;
	[tilespmem:$0x13770] =	vst v63  }
.Ltmp1:
0x7a: {  	_ =	swait.ge [sflag:s19], $0x2710;
	(pc) =	sbr.rel @p1 .LBB2_4-.Ltmp1, $4  }
0x7b: {  	[sflag:s19] =	ssyncset.done $0x0  }
0x7c: {  	s10 =	sadd.s32 s9, s16;
	[sflag:s19] =	ssyncadd.s32 $0xFFFFD8F0  }
0x7d: {  	[tilespmem:s23], [sflag:$0x2] =	stream.linear.gather [hbm4b:s10+s6], $0x2710, $0x38;
	[tilespmem:$0x13770] =	vst v63  }
0x7e: {  	s18 =	sadd.s32 $0x4E20, s18;
	s9 =	sadd.s32 s9, s15  }
0x7f: {  	[tilespmem:s24], [sflag:$0x2] =	stream.linear.gather [hbm4b:s9+s6], $0x2710, $0x38;
	[tilespmem:$0x13770] =	vst v63  }
0x80: {  	_ =	swait.ge [sflag:s29], $0x2710  }
0x81: {  	[sflag:s29] =	ssyncset.done $0x0  }
0x82: {  	[sflag:s29] =	ssyncadd.s32 $0xFFFFD8F0  }
0x83: {  	_ =	swait.ge [sflag:s30], $0x2710  }
0x84: {  	[sflag:s30] =	ssyncset.done $0x0  }
0x85: {  	[sflag:s30] =	ssyncadd.s32 $0xFFFFD8F0  }
0x86: {  	_ =	swait.ge [sflag:s30], $0x2710  }
0x87: {  	[sflag:s30] =	ssyncset.done $0x0  }
0x88: {  	[sflag:s30] =	ssyncadd.s32 $0xFFFFD8F0  }
0x89: {  	[tilespmem:s31], [sflag:$0x4] =	stream.indirect.gather [spmem:s5], $0x1, s23, s26, $0xb8;
	[tilespmem:$0x13770] =	vst v63  }
0x8a: {  	_ = 	snop  }
0x8b: {  	[spmem:s4] =	stream.indirect.scatter.add.f32 [tilespmem:s28], [sflag:$0x5], $0x1, s22, s26, $0xb8;
	[tilespmem:$0x13770] =	vst v63  }
0x8c: {  	_ =	swait.ge [sflag:s19], $0x2710  }
0x8d: {  	[sflag:s19] =	ssyncset.done $0x0  }
0x8e: {  	[sflag:s19] =	ssyncadd.s32 $0xFFFFD8F0  }
0x8f: {  	_ =	swait.ge [sflag:s2], $0x2710  }
0x90: {  	[sflag:s2] =	ssyncset.done $0x0  }
0x91: {  	s0 =	stileid.u32;
	[sflag:s2] =	ssyncadd.s32 $0xFFFFD8F0  }
0x92: {  	[spmem:s4] =	stream.indirect.scatter.add.f32 [tilespmem:s31], [sflag:$0x5], $0x1, s24, s26, $0xb8;
	[tilespmem:$0x13770] =	vst v63  }
0x93: {  	s18 =	sshrl.u32 s8, $0x3;
	s10 =	simm.s32 $0x20;
	_ =	swait.ge [sflag:s19], $0x2710  }
0x94: {  	s11 =	simm.s32 $0x10;
	s7 =	sadd.s32 $0x1, s7;
	[sflag:s19] =	ssyncset.done $0x0  }
0x95: {  	s0 =	sshll.u32 s0, $0x6;
	p1 =	sne.s32 s7, s14;
	[sflag:s19] =	ssyncadd.s32 $0xFFFFD8F0  }
.Ltmp2:
0x96: {  	s0 =	sor.u32 $0x1C05, s0;
	[bflag:$0x0] =	sbarrier.arrive $0xFFFF;
	(pc) =	sbr.rel @p1 .LBB2_1-.Ltmp2, $4  }
0x97: {  	[hbm:s13@s10], [sflag:s0] =	dma.strided [spmem:s18@s11], $0x320, s25, $0x10   }
0x98: {  	_ =	swait.ge [sflag:s19], $0x320  }
0x99: {  	[sflag:s19] =	ssyncset.done $0x0  }
0x9a: {  	[sflag:s19] =	ssyncadd.s32 $0xFFFFFCE0  }
0x9b: {  	_ =	sfence.sel $0x180000  }
0x9c: {  	[bflag:$0x0] =	sbarrier.arrive $0xFFFF  }
0x9d: {  	_ =	strace $0x90000047  }
0x9e: {  	[bflag:$0x2] =	sbarrier.arrive $0xFFFF  }
0x9f: {  	s0 =	rddreg [dreg:$0x6]  }
0xa0: {  	s0 =	sadd.s32 @!p0 $0x100000, s0  }
0xa1: {  	[sflag:s0] =	ssyncadd.tile.s32 @!p0 $0x1;
	_ =	shalt  }
.Lfunc_end2:
_tile_overlayer_lowered:
.L_overlay_start_2:
0xa2: {  	(tag) =	ssettag $0x2  }
0xa3: {  	s0 =	rddreg [dreg:$0x0];
	s2 =	stileid.u32  }
0xa4: {  	s1 =	rddreg [dreg:$0x1];
	p0 =	sne.s32 s2, $0x0  }
0xa5: {  	s3 =	rddreg [dreg:$0x2];
	[bflag:$0x3] =	sbarrier.arrive $0xFFFF;
	s2 =	simm.s32 @!p0 $0x1C05  }
0xa6: {  	[timem:s3], [sflag:s2] =	dma.local @!p0 [hbm:s0], s1  }
0xa7: {  	s0 =	simm.s32 @!p0 $0x5  }
0xa8: {  	_ =	swait.ge @!p0 [sflag:s0], s1  }
0xa9: {  	s1 =	ssub.s32 @!p0 $0x0, s1;
	[sflag:s0] =	ssyncset.done @!p0 $0x0  }
0xaa: {  	[sflag:s0] =	ssyncadd.s32 @!p0 s1  }
0xab: {  	[bflag:$0x3] =	sbarrier.arrive $0xFFFF  }
0xac: {  	_ =	shalt  }

</sc_bundles>
